<compile_context>
chip_gen: v7x
topology: tpu7x:2x2x1
jax: 0.10.2.dev20260603
libtpu: 0.0.44.dev20260713+nightly
codegen_flags: <defaults>
</compile_context>

<pallas_src>
import dataclasses
import functools

import jax
import jax.numpy as jnp
from jax import lax
from jax.experimental import pallas as pl
from jax.experimental.pallas import tpu as pltpu
from jax.experimental.pallas import tpu_sc as plsc

_NC = 2
_NS = 16
_NW = _NC * _NS
_L = 16

_R = 200
_C = 16384
_C_W = _C // _NW
_BC = 128
_NBLK = _C_W // _BC


def _make_sc_kernel():
    mesh = plsc.VectorSubcoreMesh(core_axis_name="c", subcore_axis_name="s")

    cp = pltpu.CompilerParams()
    if "needs_layout_passes" in pltpu.CompilerParams.__dataclass_fields__:
        cp = dataclasses.replace(cp, needs_layout_passes=False)

    @functools.partial(
        pl.kernel,
        mesh=mesh,
        out_type=jax.ShapeDtypeStruct((_R, _C), jnp.int32),
        scratch_types=[
            pltpu.VMEM((128,), jnp.int32),
            pltpu.VMEM((2, _R, _BC), jnp.int32),
            pltpu.VMEM((2, _R, _BC), jnp.int32),
            pltpu.SemaphoreType.DMA((2,)),
            pltpu.SemaphoreType.DMA((2,)),
        ],
        compiler_params=cp,
    )
    def sc_kernel(in_hbm, map_hbm, out_hbm, table_v, in_b, out_b, sin, sout):
        wid = lax.axis_index("s") * _NC + lax.axis_index("c")
        base = wid * _C_W

        def in_copy(blk, par):
            return pltpu.make_async_copy(
                in_hbm.at[:, pl.ds(base + blk * _BC, _BC)],
                in_b.at[par], sin.at[par])

        def out_copy(blk, par):
            return pltpu.make_async_copy(
                out_b.at[par], out_hbm.at[:, pl.ds(base + blk * _BC, _BC)],
                sout.at[par])

        in_copy(0, 0).start()
        pltpu.sync_copy(map_hbm, table_v)

        def do_blk(blk, _):
            par = lax.rem(blk, 2)
            in_copy(blk, par).wait()

            @pl.when(blk + 1 < _NBLK)
            def _():
                in_copy(blk + 1, 1 - par).start()

            @pl.when(blk >= 2)
            def _():
                out_copy(blk - 2, par).wait()

            @plsc.parallel_loop(0, _R, step=1, unroll=8)
            def translate(r):
                for g in range(_BC // _L):
                    s = pl.ds(g * _L, _L)
                    out_b[par, r, s] = plsc.load_gather(
                        table_v, [in_b[par, r, s]])

            out_copy(blk, par).start()
            return 0

        lax.fori_loop(0, _NBLK, do_blk, 0)
        out_copy(_NBLK - 2, (_NBLK - 2) % 2).wait()
        out_copy(_NBLK - 1, (_NBLK - 1) % 2).wait()

    return sc_kernel


_sc_kernel = _make_sc_kernel()


@jax.jit
def kernel(inputs, mapping):
    out_t = _sc_kernel(inputs.T, mapping)
    return out_t.T

# --- scband reference (transcript-rebuilt; emitter-appended) ---
"""Pipeline reference for scband-char-mapping-13417477833484 (READ-ONLY COPY).

The authoritative reference and input builder live on the scoring server;
editing this copy changes nothing except your own understanding.
"""

import jax, jax.numpy as jnp
import numpy as np

CHARS = list("abcdefghijklmnopqrstuvwxyz0123456789 .,!?'-")


def _build_vocab():
    vocab = ['<UNK>'] + CHARS
    vocab = list(dict.fromkeys(vocab))
    return vocab


def setup_inputs(seed: int = 0) -> dict:
    key = jax.random.key(seed)
    vocab = _build_vocab()
    # Emulate tf.lookup.StaticHashTable over single characters:
    # map ASCII codepoint -> vocab index, default 0 (<UNK>).
    mapping = np.zeros(128, dtype=np.int32)
    for i, tok in enumerate(vocab):
        if len(tok) == 1:
            cp = ord(tok)
            if cp < 128:
                mapping[cp] = i
    # inputs: batch of character sequences, represented as int32 codepoints in [0, 128)
    inputs = jax.random.randint(key, (16384, 200), 0, 128, dtype=jnp.int32)
    return {"inputs": inputs, "mapping": jnp.asarray(mapping)}


def reference(inputs, mapping):
    # StaticHashTable.lookup == gather into the codepoint->index mapping,
    # with out-of-vocabulary codepoints already mapped to default 0.
    return jnp.take(mapping, inputs, axis=0)

if __name__ == "__main__":
    import jax
    _d = setup_inputs()
    print(jax.jit(kernel)(*tuple(_d.values())))

</pallas_src>

<mosaic_0001>
#map = affine_map<(d0, d1) -> (0, 0)>
#map1 = affine_map<(d0, d1) -> (0)>
module attributes {stable_mosaic.version = 14 : i64} {
  func.func @sc_kernel(%arg0: i32, %arg1: i32, %arg2: memref<200x16384xi32, #tpu.memory_space<hbm>>, %arg3: memref<128xi32, #tpu.memory_space<hbm>>, %arg4: memref<200x16384xi32, #tpu.memory_space<hbm>>, %arg5: memref<128xi32, #tpu.memory_space<vmem>>, %arg6: memref<2x200x128xi32, #tpu.memory_space<vmem>>, %arg7: memref<2x200x128xi32, #tpu.memory_space<vmem>>, %arg8: memref<2x!tpu.dma_semaphore, #tpu.memory_space<semaphore_mem>>, %arg9: memref<2x!tpu.dma_semaphore, #tpu.memory_space<semaphore_mem>>) attributes {dimension_semantics = [#tpu.dimension_semantics<core_parallel>, #tpu.dimension_semantics<subcore_parallel>], iteration_bounds = array<i64: 2, 16>, scalar_prefetch = 0 : i64, scratch_operands = 5 : i64, tpu.core_type = #tpu.core_type<sc_vector_subcore>, window_params = [{transform_indices = #map}, {transform_indices = #map1}, {transform_indices = #map}]} {
    %mul3A = arith.constant 2 : i32
    %mul3A_0 = arith.muli %arg1, %mul3A : i32
    %add3A = arith.addi %mul3A_0, %arg0 : i32
    %mul3A_1 = arith.constant 512 : i32
    %mul3A_2 = arith.muli %add3A, %mul3A_1 : i32
    %add3A_3 = arith.constant 0 : i32
    %add3A_4 = arith.addi %mul3A_2, %add3A_3 : i32
    %dma_start3A = arith.constant 0 : i32
    %dma_start3A_5 = arith.constant 0 : i32
    %dma_start3A_6 = arith.constant 0 : i32
    %dma_start3A_7 = arith.constant 0 : i32
    %dma_start3A_8 = tpu.memref_slice %arg6[%dma_start3A, %dma_start3A_6, %dma_start3A_7] : memref<2x200x128xi32, #tpu.memory_space<vmem>> -> memref<1x200x128xi32, #tpu.memory_space<vmem>>
    %dma_start3A_9 = tpu.memref_squeeze %dma_start3A_8 : memref<1x200x128xi32, #tpu.memory_space<vmem>> -> memref<200x128xi32, #tpu.memory_space<vmem>>
    %dma_start3A_10 = arith.constant 0 : i32
    %dma_start3A_11 = tpu.memref_slice %arg2[%dma_start3A_10, %add3A_4] : memref<200x16384xi32, #tpu.memory_space<hbm>> -> memref<200x128xi32, #tpu.memory_space<hbm>>
    %dma_start3A_12 = tpu.memref_slice %arg8[%dma_start3A_5] : memref<2x!tpu.dma_semaphore, #tpu.memory_space<semaphore_mem>> -> memref<1x!tpu.dma_semaphore, #tpu.memory_space<semaphore_mem>>
    %dma_start3A_13 = tpu.memref_squeeze %dma_start3A_12 : memref<1x!tpu.dma_semaphore, #tpu.memory_space<semaphore_mem>> -> memref<!tpu.dma_semaphore, #tpu.memory_space<semaphore_mem>>
    %dma_start3A_14 = arith.constant 0 : i32
    %dma_start3A_15 = arith.constant 0 : i32
    %dma_start3A_16 = tpu.memref_slice %arg6[%dma_start3A, %dma_start3A_14, %dma_start3A_15] : memref<2x200x128xi32, #tpu.memory_space<vmem>> -> memref<1x200x128xi32, #tpu.memory_space<vmem>>
    %dma_start3A_17 = tpu.memref_squeeze %dma_start3A_16 : memref<1x200x128xi32, #tpu.memory_space<vmem>> -> memref<200x128xi32, #tpu.memory_space<vmem>>
    %dma_start3A_18 = arith.constant 0 : i32
    %dma_start3A_19 = tpu.memref_slice %arg2[%dma_start3A_18, %add3A_4] : memref<200x16384xi32, #tpu.memory_space<hbm>> -> memref<200x128xi32, #tpu.memory_space<hbm>>
    tpu.enqueue_dma source(%dma_start3A_19 : memref<200x128xi32, #tpu.memory_space<hbm>>) target(%dma_start3A_17 : memref<200x128xi32, #tpu.memory_space<vmem>>) target_semaphore(%dma_start3A_13 : memref<!tpu.dma_semaphore, #tpu.memory_space<semaphore_mem>>)
    "tpu.region"() ({
      %run_scoped3A = tpu.sem_alloc : memref<!tpu.dma_semaphore, #tpu.memory_space<semaphore_mem>>
      tpu.enqueue_dma source(%arg3 : memref<128xi32, #tpu.memory_space<hbm>>) target(%arg5 : memref<128xi32, #tpu.memory_space<vmem>>) target_semaphore(%run_scoped3A : memref<!tpu.dma_semaphore, #tpu.memory_space<semaphore_mem>>)
      tpu.wait_dma2 semaphore(%run_scoped3A : memref<!tpu.dma_semaphore, #tpu.memory_space<semaphore_mem>>) src(%arg3 : memref<128xi32, #tpu.memory_space<hbm>>) dst(%arg5 : memref<128xi32, #tpu.memory_space<vmem>>)
      tpu.yield
    }) : () -> ()
    %scan3A = arith.constant 0 : i32
    %scan3A_20 = arith.constant 0 : i32
    %scan3A_21 = arith.constant 4 : i32
    %scan3A_22 = arith.addi %scan3A_20, %scan3A_21 : i32
    %scan3A_23 = arith.constant 1 : i32
    %scan3A_24 = scf.for %scan3A_61 = %scan3A_20 to %scan3A_22 step %scan3A_23 iter_args(%scan3A_62 = %scan3A) -> (i32)  : i32 {
      %rem3A = arith.constant 2 : i32
      %rem3A_63 = arith.remsi %scan3A_61, %rem3A : i32
      %mul3A_64 = arith.constant 128 : i32
      %mul3A_65 = arith.muli %scan3A_61, %mul3A_64 : i32
      %add3A_66 = arith.addi %mul3A_2, %mul3A_65 : i32
      %dma_wait3A_67 = arith.constant 0 : i32
      %dma_wait3A_68 = arith.constant 0 : i32
      %dma_wait3A_69 = tpu.memref_slice %arg6[%rem3A_63, %dma_wait3A_67, %dma_wait3A_68] : memref<2x200x128xi32, #tpu.memory_space<vmem>> -> memref<1x200x128xi32, #tpu.memory_space<vmem>>
      %dma_wait3A_70 = tpu.memref_squeeze %dma_wait3A_69 : memref<1x200x128xi32, #tpu.memory_space<vmem>> -> memref<200x128xi32, #tpu.memory_space<vmem>>
      %dma_wait3A_71 = arith.constant 0 : i32
      %dma_wait3A_72 = tpu.memref_slice %arg2[%dma_wait3A_71, %add3A_66] : memref<200x16384xi32, #tpu.memory_space<hbm>> -> memref<200x128xi32, #tpu.memory_space<hbm>>
      %dma_wait3A_73 = tpu.memref_slice %arg8[%rem3A_63] : memref<2x!tpu.dma_semaphore, #tpu.memory_space<semaphore_mem>> -> memref<1x!tpu.dma_semaphore, #tpu.memory_space<semaphore_mem>>
      %dma_wait3A_74 = tpu.memref_squeeze %dma_wait3A_73 : memref<1x!tpu.dma_semaphore, #tpu.memory_space<semaphore_mem>> -> memref<!tpu.dma_semaphore, #tpu.memory_space<semaphore_mem>>
      %dma_wait3A_75 = arith.constant 0 : i32
      %dma_wait3A_76 = arith.constant 0 : i32
      %dma_wait3A_77 = tpu.memref_slice %arg6[%rem3A_63, %dma_wait3A_75, %dma_wait3A_76] : memref<2x200x128xi32, #tpu.memory_space<vmem>> -> memref<1x200x128xi32, #tpu.memory_space<vmem>>
      %dma_wait3A_78 = tpu.memref_squeeze %dma_wait3A_77 : memref<1x200x128xi32, #tpu.memory_space<vmem>> -> memref<200x128xi32, #tpu.memory_space<vmem>>
      %dma_wait3A_79 = arith.constant 0 : i32
      %dma_wait3A_80 = tpu.memref_slice %arg2[%dma_wait3A_79, %add3A_66] : memref<200x16384xi32, #tpu.memory_space<hbm>> -> memref<200x128xi32, #tpu.memory_space<hbm>>
      tpu.wait_dma2 semaphore(%dma_wait3A_74 : memref<!tpu.dma_semaphore, #tpu.memory_space<semaphore_mem>>) src(%dma_wait3A_80 : memref<200x128xi32, #tpu.memory_space<hbm>>) dst(%dma_wait3A_78 : memref<200x128xi32, #tpu.memory_space<vmem>>)
      %add3A_81 = arith.constant 1 : i32
      %add3A_82 = arith.addi %scan3A_61, %add3A_81 : i32
      %lt3A = arith.constant 4 : i32
      %lt3A_83 = arith.cmpi slt, %add3A_82, %lt3A : i32
      %convert_element_type3A = arith.extui %lt3A_83 : i1 to i32
      %cond3A = arith.constant 0 : i32
      %cond3A_84 = arith.cmpi ne, %convert_element_type3A, %cond3A : i32
      scf.if %cond3A_84 {
        %add3A_109 = arith.constant 1 : i32
        %add3A_110 = arith.addi %scan3A_61, %add3A_109 : i32
        %sub3A = arith.constant 1 : i32
        %sub3A_111 = arith.subi %sub3A, %rem3A_63 : i32
        %mul3A_112 = arith.constant 128 : i32
        %mul3A_113 = arith.muli %add3A_110, %mul3A_112 : i32
        %add3A_114 = arith.addi %mul3A_2, %mul3A_113 : i32
        %dma_start3A_115 = arith.constant 0 : i32
        %dma_start3A_116 = arith.constant 0 : i32
        %dma_start3A_117 = tpu.memref_slice %arg6[%sub3A_111, %dma_start3A_115, %dma_start3A_116] : memref<2x200x128xi32, #tpu.memory_space<vmem>> -> memref<1x200x128xi32, #tpu.memory_space<vmem>>
        %dma_start3A_118 = tpu.memref_squeeze %dma_start3A_117 : memref<1x200x128xi32, #tpu.memory_space<vmem>> -> memref<200x128xi32, #tpu.memory_space<vmem>>
        %dma_start3A_119 = arith.constant 0 : i32
        %dma_start3A_120 = tpu.memref_slice %arg2[%dma_start3A_119, %add3A_114] : memref<200x16384xi32, #tpu.memory_space<hbm>> -> memref<200x128xi32, #tpu.memory_space<hbm>>
        %dma_start3A_121 = tpu.memref_slice %arg8[%sub3A_111] : memref<2x!tpu.dma_semaphore, #tpu.memory_space<semaphore_mem>> -> memref<1x!tpu.dma_semaphore, #tpu.memory_space<semaphore_mem>>
        %dma_start3A_122 = tpu.memref_squeeze %dma_start3A_121 : memref<1x!tpu.dma_semaphore, #tpu.memory_space<semaphore_mem>> -> memref<!tpu.dma_semaphore, #tpu.memory_space<semaphore_mem>>
        %dma_start3A_123 = arith.constant 0 : i32
        %dma_start3A_124 = arith.constant 0 : i32
        %dma_start3A_125 = tpu.memref_slice %arg6[%sub3A_111, %dma_start3A_123, %dma_start3A_124] : memref<2x200x128xi32, #tpu.memory_space<vmem>> -> memref<1x200x128xi32, #tpu.memory_space<vmem>>
        %dma_start3A_126 = tpu.memref_squeeze %dma_start3A_125 : memref<1x200x128xi32, #tpu.memory_space<vmem>> -> memref<200x128xi32, #tpu.memory_space<vmem>>
        %dma_start3A_127 = arith.constant 0 : i32
        %dma_start3A_128 = tpu.memref_slice %arg2[%dma_start3A_127, %add3A_114] : memref<200x16384xi32, #tpu.memory_space<hbm>> -> memref<200x128xi32, #tpu.memory_space<hbm>>
        tpu.enqueue_dma source(%dma_start3A_128 : memref<200x128xi32, #tpu.memory_space<hbm>>) target(%dma_start3A_126 : memref<200x128xi32, #tpu.memory_space<vmem>>) target_semaphore(%dma_start3A_122 : memref<!tpu.dma_semaphore, #tpu.memory_space<semaphore_mem>>)
      } else {
      }
      %ge3A = arith.constant 2 : i32
      %ge3A_85 = arith.cmpi sge, %scan3A_61, %ge3A : i32
      %convert_element_type3A_86 = arith.extui %ge3A_85 : i1 to i32
      %cond3A_87 = arith.constant 0 : i32
      %cond3A_88 = arith.cmpi ne, %convert_element_type3A_86, %cond3A_87 : i32
      scf.if %cond3A_88 {
        %sub3A = arith.constant 2 : i32
        %sub3A_109 = arith.subi %scan3A_61, %sub3A : i32
        %mul3A_110 = arith.constant 128 : i32
        %mul3A_111 = arith.muli %sub3A_109, %mul3A_110 : i32
        %add3A_112 = arith.addi %mul3A_2, %mul3A_111 : i32
        %dma_wait3A_113 = arith.constant 0 : i32
        %dma_wait3A_114 = arith.constant 0 : i32
        %dma_wait3A_115 = tpu.memref_slice %arg7[%rem3A_63, %dma_wait3A_113, %dma_wait3A_114] : memref<2x200x128xi32, #tpu.memory_space<vmem>> -> memref<1x200x128xi32, #tpu.memory_space<vmem>>
        %dma_wait3A_116 = tpu.memref_squeeze %dma_wait3A_115 : memref<1x200x128xi32, #tpu.memory_space<vmem>> -> memref<200x128xi32, #tpu.memory_space<vmem>>
        %dma_wait3A_117 = arith.constant 0 : i32
        %dma_wait3A_118 = tpu.memref_slice %arg4[%dma_wait3A_117, %add3A_112] : memref<200x16384xi32, #tpu.memory_space<hbm>> -> memref<200x128xi32, #tpu.memory_space<hbm>>
        %dma_wait3A_119 = tpu.memref_slice %arg9[%rem3A_63] : memref<2x!tpu.dma_semaphore, #tpu.memory_space<semaphore_mem>> -> memref<1x!tpu.dma_semaphore, #tpu.memory_space<semaphore_mem>>
        %dma_wait3A_120 = tpu.memref_squeeze %dma_wait3A_119 : memref<1x!tpu.dma_semaphore, #tpu.memory_space<semaphore_mem>> -> memref<!tpu.dma_semaphore, #tpu.memory_space<semaphore_mem>>
        %dma_wait3A_121 = arith.constant 0 : i32
        %dma_wait3A_122 = tpu.memref_slice %arg4[%dma_wait3A_121, %add3A_112] : memref<200x16384xi32, #tpu.memory_space<hbm>> -> memref<200x128xi32, #tpu.memory_space<hbm>>
        %dma_wait3A_123 = arith.constant 0 : i32
        %dma_wait3A_124 = arith.constant 0 : i32
        %dma_wait3A_125 = tpu.memref_slice %arg7[%rem3A_63, %dma_wait3A_123, %dma_wait3A_124] : memref<2x200x128xi32, #tpu.memory_space<vmem>> -> memref<1x200x128xi32, #tpu.memory_space<vmem>>
        %dma_wait3A_126 = tpu.memref_squeeze %dma_wait3A_125 : memref<1x200x128xi32, #tpu.memory_space<vmem>> -> memref<200x128xi32, #tpu.memory_space<vmem>>
        tpu.wait_dma2 semaphore(%dma_wait3A_120 : memref<!tpu.dma_semaphore, #tpu.memory_space<semaphore_mem>>) src(%dma_wait3A_126 : memref<200x128xi32, #tpu.memory_space<vmem>>) dst(%dma_wait3A_122 : memref<200x128xi32, #tpu.memory_space<hbm>>)
      } else {
      }
      %parallel_loop3A = arith.constant 0 : i32
      %parallel_loop3A_89 = arith.constant 200 : i32
      %parallel_loop3A_90 = arith.constant 1 : i32
      scf.for %parallel_loop3A_109 = %parallel_loop3A to %parallel_loop3A_89 step %parallel_loop3A_90  : i32 {
        %parallel_loop3A_110 = arith.index_cast %rem3A_63 : i32 to index
        %parallel_loop3A_111 = arith.index_cast %parallel_loop3A_109 : i32 to index
        %parallel_loop3A_112 = arith.constant 0 : index
        %parallel_loop3A_113 = tpu.vector_load %arg6[%parallel_loop3A_110, %parallel_loop3A_111, %parallel_loop3A_112] {strides = array<i32>} : memref<2x200x128xi32, #tpu.memory_space<vmem>>, vector<16xi32>,
        %parallel_loop3A_114 = tpu.vector_load_idx %arg5[%parallel_loop3A_113] : memref<128xi32, #tpu.memory_space<vmem>>[vector<16xi32>], vector<16xi32>,
        %parallel_loop3A_115 = arith.index_cast %rem3A_63 : i32 to index
        %parallel_loop3A_116 = arith.index_cast %parallel_loop3A_109 : i32 to index
        %parallel_loop3A_117 = arith.constant 0 : index
        %parallel_loop3A_118 = tpu.vector_load %arg7[%parallel_loop3A_115, %parallel_loop3A_116, %parallel_loop3A_117] {strides = array<i32>} : memref<2x200x128xi32, #tpu.memory_space<vmem>>, vector<16xi32>,
        tpu.vector_store %arg7[%parallel_loop3A_115, %parallel_loop3A_116, %parallel_loop3A_117], %parallel_loop3A_114 {strides = array<i32>} : memref<2x200x128xi32, #tpu.memory_space<vmem>>, vector<16xi32>,
        %parallel_loop3A_119 = arith.index_cast %rem3A_63 : i32 to index
        %parallel_loop3A_120 = arith.index_cast %parallel_loop3A_109 : i32 to index
        %parallel_loop3A_121 = arith.constant 16 : index
        %parallel_loop3A_122 = tpu.vector_load %arg6[%parallel_loop3A_119, %parallel_loop3A_120, %parallel_loop3A_121] {strides = array<i32>} : memref<2x200x128xi32, #tpu.memory_space<vmem>>, vector<16xi32>,
        %parallel_loop3A_123 = tpu.vector_load_idx %arg5[%parallel_loop3A_122] : memref<128xi32, #tpu.memory_space<vmem>>[vector<16xi32>], vector<16xi32>,
        %parallel_loop3A_124 = arith.index_cast %rem3A_63 : i32 to index
        %parallel_loop3A_125 = arith.index_cast %parallel_loop3A_109 : i32 to index
        %parallel_loop3A_126 = arith.constant 16 : index
        %parallel_loop3A_127 = tpu.vector_load %arg7[%parallel_loop3A_124, %parallel_loop3A_125, %parallel_loop3A_126] {strides = array<i32>} : memref<2x200x128xi32, #tpu.memory_space<vmem>>, vector<16xi32>,
        tpu.vector_store %arg7[%parallel_loop3A_124, %parallel_loop3A_125, %parallel_loop3A_126], %parallel_loop3A_123 {strides = array<i32>} : memref<2x200x128xi32, #tpu.memory_space<vmem>>, vector<16xi32>,
        %parallel_loop3A_128 = arith.index_cast %rem3A_63 : i32 to index
        %parallel_loop3A_129 = arith.index_cast %parallel_loop3A_109 : i32 to index
        %parallel_loop3A_130 = arith.constant 32 : index
        %parallel_loop3A_131 = tpu.vector_load %arg6[%parallel_loop3A_128, %parallel_loop3A_129, %parallel_loop3A_130] {strides = array<i32>} : memref<2x200x128xi32, #tpu.memory_space<vmem>>, vector<16xi32>,
        %parallel_loop3A_132 = tpu.vector_load_idx %arg5[%parallel_loop3A_131] : memref<128xi32, #tpu.memory_space<vmem>>[vector<16xi32>], vector<16xi32>,
        %parallel_loop3A_133 = arith.index_cast %rem3A_63 : i32 to index
        %parallel_loop3A_134 = arith.index_cast %parallel_loop3A_109 : i32 to index
        %parallel_loop3A_135 = arith.constant 32 : index
        %parallel_loop3A_136 = tpu.vector_load %arg7[%parallel_loop3A_133, %parallel_loop3A_134, %parallel_loop3A_135] {strides = array<i32>} : memref<2x200x128xi32, #tpu.memory_space<vmem>>, vector<16xi32>,
        tpu.vector_store %arg7[%parallel_loop3A_133, %parallel_loop3A_134, %parallel_loop3A_135], %parallel_loop3A_132 {strides = array<i32>} : memref<2x200x128xi32, #tpu.memory_space<vmem>>, vector<16xi32>,
        %parallel_loop3A_137 = arith.index_cast %rem3A_63 : i32 to index
        %parallel_loop3A_138 = arith.index_cast %parallel_loop3A_109 : i32 to index
        %parallel_loop3A_139 = arith.constant 48 : index
        %parallel_loop3A_140 = tpu.vector_load %arg6[%parallel_loop3A_137, %parallel_loop3A_138, %parallel_loop3A_139] {strides = array<i32>} : memref<2x200x128xi32, #tpu.memory_space<vmem>>, vector<16xi32>,
        %parallel_loop3A_141 = tpu.vector_load_idx %arg5[%parallel_loop3A_140] : memref<128xi32, #tpu.memory_space<vmem>>[vector<16xi32>], vector<16xi32>,
        %parallel_loop3A_142 = arith.index_cast %rem3A_63 : i32 to index
        %parallel_loop3A_143 = arith.index_cast %parallel_loop3A_109 : i32 to index
        %parallel_loop3A_144 = arith.constant 48 : index
        %parallel_loop3A_145 = tpu.vector_load %arg7[%parallel_loop3A_142, %parallel_loop3A_143, %parallel_loop3A_144] {strides = array<i32>} : memref<2x200x128xi32, #tpu.memory_space<vmem>>, vector<16xi32>,
        tpu.vector_store %arg7[%parallel_loop3A_142, %parallel_loop3A_143, %parallel_loop3A_144], %parallel_loop3A_141 {strides = array<i32>} : memref<2x200x128xi32, #tpu.memory_space<vmem>>, vector<16xi32>,
        %parallel_loop3A_146 = arith.index_cast %rem3A_63 : i32 to index
        %parallel_loop3A_147 = arith.index_cast %parallel_loop3A_109 : i32 to index
        %parallel_loop3A_148 = arith.constant 64 : index
        %parallel_loop3A_149 = tpu.vector_load %arg6[%parallel_loop3A_146, %parallel_loop3A_147, %parallel_loop3A_148] {strides = array<i32>} : memref<2x200x128xi32, #tpu.memory_space<vmem>>, vector<16xi32>,
        %parallel_loop3A_150 = tpu.vector_load_idx %arg5[%parallel_loop3A_149] : memref<128xi32, #tpu.memory_space<vmem>>[vector<16xi32>], vector<16xi32>,
        %parallel_loop3A_151 = arith.index_cast %rem3A_63 : i32 to index
        %parallel_loop3A_152 = arith.index_cast %parallel_loop3A_109 : i32 to index
        %parallel_loop3A_153 = arith.constant 64 : index
        %parallel_loop3A_154 = tpu.vector_load %arg7[%parallel_loop3A_151, %parallel_loop3A_152, %parallel_loop3A_153] {strides = array<i32>} : memref<2x200x128xi32, #tpu.memory_space<vmem>>, vector<16xi32>,
        tpu.vector_store %arg7[%parallel_loop3A_151, %parallel_loop3A_152, %parallel_loop3A_153], %parallel_loop3A_150 {strides = array<i32>} : memref<2x200x128xi32, #tpu.memory_space<vmem>>, vector<16xi32>,
        %parallel_loop3A_155 = arith.index_cast %rem3A_63 : i32 to index
        %parallel_loop3A_156 = arith.index_cast %parallel_loop3A_109 : i32 to index
        %parallel_loop3A_157 = arith.constant 80 : index
        %parallel_loop3A_158 = tpu.vector_load %arg6[%parallel_loop3A_155, %parallel_loop3A_156, %parallel_loop3A_157] {strides = array<i32>} : memref<2x200x128xi32, #tpu.memory_space<vmem>>, vector<16xi32>,
        %parallel_loop3A_159 = tpu.vector_load_idx %arg5[%parallel_loop3A_158] : memref<128xi32, #tpu.memory_space<vmem>>[vector<16xi32>], vector<16xi32>,
        %parallel_loop3A_160 = arith.index_cast %rem3A_63 : i32 to index
        %parallel_loop3A_161 = arith.index_cast %parallel_loop3A_109 : i32 to index
        %parallel_loop3A_162 = arith.constant 80 : index
        %parallel_loop3A_163 = tpu.vector_load %arg7[%parallel_loop3A_160, %parallel_loop3A_161, %parallel_loop3A_162] {strides = array<i32>} : memref<2x200x128xi32, #tpu.memory_space<vmem>>, vector<16xi32>,
        tpu.vector_store %arg7[%parallel_loop3A_160, %parallel_loop3A_161, %parallel_loop3A_162], %parallel_loop3A_159 {strides = array<i32>} : memref<2x200x128xi32, #tpu.memory_space<vmem>>, vector<16xi32>,
        %parallel_loop3A_164 = arith.index_cast %rem3A_63 : i32 to index
        %parallel_loop3A_165 = arith.index_cast %parallel_loop3A_109 : i32 to index
        %parallel_loop3A_166 = arith.constant 96 : index
        %parallel_loop3A_167 = tpu.vector_load %arg6[%parallel_loop3A_164, %parallel_loop3A_165, %parallel_loop3A_166] {strides = array<i32>} : memref<2x200x128xi32, #tpu.memory_space<vmem>>, vector<16xi32>,
        %parallel_loop3A_168 = tpu.vector_load_idx %arg5[%parallel_loop3A_167] : memref<128xi32, #tpu.memory_space<vmem>>[vector<16xi32>], vector<16xi32>,
        %parallel_loop3A_169 = arith.index_cast %rem3A_63 : i32 to index
        %parallel_loop3A_170 = arith.index_cast %parallel_loop3A_109 : i32 to index
        %parallel_loop3A_171 = arith.constant 96 : index
        %parallel_loop3A_172 = tpu.vector_load %arg7[%parallel_loop3A_169, %parallel_loop3A_170, %parallel_loop3A_171] {strides = array<i32>} : memref<2x200x128xi32, #tpu.memory_space<vmem>>, vector<16xi32>,
        tpu.vector_store %arg7[%parallel_loop3A_169, %parallel_loop3A_170, %parallel_loop3A_171], %parallel_loop3A_168 {strides = array<i32>} : memref<2x200x128xi32, #tpu.memory_space<vmem>>, vector<16xi32>,
        %parallel_loop3A_173 = arith.index_cast %rem3A_63 : i32 to index
        %parallel_loop3A_174 = arith.index_cast %parallel_loop3A_109 : i32 to index
        %parallel_loop3A_175 = arith.constant 112 : index
        %parallel_loop3A_176 = tpu.vector_load %arg6[%parallel_loop3A_173, %parallel_loop3A_174, %parallel_loop3A_175] {strides = array<i32>} : memref<2x200x128xi32, #tpu.memory_space<vmem>>, vector<16xi32>,
        %parallel_loop3A_177 = tpu.vector_load_idx %arg5[%parallel_loop3A_176] : memref<128xi32, #tpu.memory_space<vmem>>[vector<16xi32>], vector<16xi32>,
        %parallel_loop3A_178 = arith.index_cast %rem3A_63 : i32 to index
        %parallel_loop3A_179 = arith.index_cast %parallel_loop3A_109 : i32 to index
        %parallel_loop3A_180 = arith.constant 112 : index
        %parallel_loop3A_181 = tpu.vector_load %arg7[%parallel_loop3A_178, %parallel_loop3A_179, %parallel_loop3A_180] {strides = array<i32>} : memref<2x200x128xi32, #tpu.memory_space<vmem>>, vector<16xi32>,
        tpu.vector_store %arg7[%parallel_loop3A_178, %parallel_loop3A_179, %parallel_loop3A_180], %parallel_loop3A_177 {strides = array<i32>} : memref<2x200x128xi32, #tpu.memory_space<vmem>>, vector<16xi32>,
      } {sc.loop_unroll_factor = 8 : i64, sc.parallel_access}
      %mul3A_91 = arith.constant 128 : i32
      %mul3A_92 = arith.muli %scan3A_61, %mul3A_91 : i32
      %add3A_93 = arith.addi %mul3A_2, %mul3A_92 : i32
      %dma_start3A_94 = arith.constant 0 : i32
      %dma_start3A_95 = arith.constant 0 : i32
      %dma_start3A_96 = tpu.memref_slice %arg7[%rem3A_63, %dma_start3A_94, %dma_start3A_95] : memref<2x200x128xi32, #tpu.memory_space<vmem>> -> memref<1x200x128xi32, #tpu.memory_space<vmem>>
      %dma_start3A_97 = tpu.memref_squeeze %dma_start3A_96 : memref<1x200x128xi32, #tpu.memory_space<vmem>> -> memref<200x128xi32, #tpu.memory_space<vmem>>
      %dma_start3A_98 = arith.constant 0 : i32
      %dma_start3A_99 = tpu.memref_slice %arg4[%dma_start3A_98, %add3A_93] : memref<200x16384xi32, #tpu.memory_space<hbm>> -> memref<200x128xi32, #tpu.memory_space<hbm>>
      %dma_start3A_100 = tpu.memref_slice %arg9[%rem3A_63] : memref<2x!tpu.dma_semaphore, #tpu.memory_space<semaphore_mem>> -> memref<1x!tpu.dma_semaphore, #tpu.memory_space<semaphore_mem>>
      %dma_start3A_101 = tpu.memref_squeeze %dma_start3A_100 : memref<1x!tpu.dma_semaphore, #tpu.memory_space<semaphore_mem>> -> memref<!tpu.dma_semaphore, #tpu.memory_space<semaphore_mem>>
      %dma_start3A_102 = arith.constant 0 : i32
      %dma_start3A_103 = tpu.memref_slice %arg4[%dma_start3A_102, %add3A_93] : memref<200x16384xi32, #tpu.memory_space<hbm>> -> memref<200x128xi32, #tpu.memory_space<hbm>>
      %dma_start3A_104 = arith.constant 0 : i32
      %dma_start3A_105 = arith.constant 0 : i32
      %dma_start3A_106 = tpu.memref_slice %arg7[%rem3A_63, %dma_start3A_104, %dma_start3A_105] : memref<2x200x128xi32, #tpu.memory_space<vmem>> -> memref<1x200x128xi32, #tpu.memory_space<vmem>>
      %dma_start3A_107 = tpu.memref_squeeze %dma_start3A_106 : memref<1x200x128xi32, #tpu.memory_space<vmem>> -> memref<200x128xi32, #tpu.memory_space<vmem>>
      tpu.enqueue_dma source(%dma_start3A_107 : memref<200x128xi32, #tpu.memory_space<vmem>>) target(%dma_start3A_103 : memref<200x128xi32, #tpu.memory_space<hbm>>) target_semaphore(%dma_start3A_101 : memref<!tpu.dma_semaphore, #tpu.memory_space<semaphore_mem>>)
      %scan3A_108 = arith.constant 0 : i32
      scf.yield %scan3A_108 : i32
    }
    %scan3A_25 = arith.constant 4 : i32
    %add3A_26 = arith.constant 256 : i32
    %add3A_27 = arith.addi %mul3A_2, %add3A_26 : i32
    %dma_wait3A = arith.constant 0 : i32
    %dma_wait3A_28 = arith.constant 0 : i32
    %dma_wait3A_29 = arith.constant 0 : i32
    %dma_wait3A_30 = arith.constant 0 : i32
    %dma_wait3A_31 = tpu.memref_slice %arg7[%dma_wait3A, %dma_wait3A_29, %dma_wait3A_30] : memref<2x200x128xi32, #tpu.memory_space<vmem>> -> memref<1x200x128xi32, #tpu.memory_space<vmem>>
    %dma_wait3A_32 = tpu.memref_squeeze %dma_wait3A_31 : memref<1x200x128xi32, #tpu.memory_space<vmem>> -> memref<200x128xi32, #tpu.memory_space<vmem>>
    %dma_wait3A_33 = arith.constant 0 : i32
    %dma_wait3A_34 = tpu.memref_slice %arg4[%dma_wait3A_33, %add3A_27] : memref<200x16384xi32, #tpu.memory_space<hbm>> -> memref<200x128xi32, #tpu.memory_space<hbm>>
    %dma_wait3A_35 = tpu.memref_slice %arg9[%dma_wait3A_28] : memref<2x!tpu.dma_semaphore, #tpu.memory_space<semaphore_mem>> -> memref<1x!tpu.dma_semaphore, #tpu.memory_space<semaphore_mem>>
    %dma_wait3A_36 = tpu.memref_squeeze %dma_wait3A_35 : memref<1x!tpu.dma_semaphore, #tpu.memory_space<semaphore_mem>> -> memref<!tpu.dma_semaphore, #tpu.memory_space<semaphore_mem>>
    %dma_wait3A_37 = arith.constant 0 : i32
    %dma_wait3A_38 = tpu.memref_slice %arg4[%dma_wait3A_37, %add3A_27] : memref<200x16384xi32, #tpu.memory_space<hbm>> -> memref<200x128xi32, #tpu.memory_space<hbm>>
    %dma_wait3A_39 = arith.constant 0 : i32
    %dma_wait3A_40 = arith.constant 0 : i32
    %dma_wait3A_41 = tpu.memref_slice %arg7[%dma_wait3A, %dma_wait3A_39, %dma_wait3A_40] : memref<2x200x128xi32, #tpu.memory_space<vmem>> -> memref<1x200x128xi32, #tpu.memory_space<vmem>>
    %dma_wait3A_42 = tpu.memref_squeeze %dma_wait3A_41 : memref<1x200x128xi32, #tpu.memory_space<vmem>> -> memref<200x128xi32, #tpu.memory_space<vmem>>
    tpu.wait_dma2 semaphore(%dma_wait3A_36 : memref<!tpu.dma_semaphore, #tpu.memory_space<semaphore_mem>>) src(%dma_wait3A_42 : memref<200x128xi32, #tpu.memory_space<vmem>>) dst(%dma_wait3A_38 : memref<200x128xi32, #tpu.memory_space<hbm>>)
    %add3A_43 = arith.constant 384 : i32
    %add3A_44 = arith.addi %mul3A_2, %add3A_43 : i32
    %dma_wait3A_45 = arith.constant 1 : i32
    %dma_wait3A_46 = arith.constant 1 : i32
    %dma_wait3A_47 = arith.constant 0 : i32
    %dma_wait3A_48 = arith.constant 0 : i32
    %dma_wait3A_49 = tpu.memref_slice %arg7[%dma_wait3A_45, %dma_wait3A_47, %dma_wait3A_48] : memref<2x200x128xi32, #tpu.memory_space<vmem>> -> memref<1x200x128xi32, #tpu.memory_space<vmem>>
    %dma_wait3A_50 = tpu.memref_squeeze %dma_wait3A_49 : memref<1x200x128xi32, #tpu.memory_space<vmem>> -> memref<200x128xi32, #tpu.memory_space<vmem>>
    %dma_wait3A_51 = arith.constant 0 : i32
    %dma_wait3A_52 = tpu.memref_slice %arg4[%dma_wait3A_51, %add3A_44] : memref<200x16384xi32, #tpu.memory_space<hbm>> -> memref<200x128xi32, #tpu.memory_space<hbm>>
    %dma_wait3A_53 = tpu.memref_slice %arg9[%dma_wait3A_46] : memref<2x!tpu.dma_semaphore, #tpu.memory_space<semaphore_mem>> -> memref<1x!tpu.dma_semaphore, #tpu.memory_space<semaphore_mem>>
    %dma_wait3A_54 = tpu.memref_squeeze %dma_wait3A_53 : memref<1x!tpu.dma_semaphore, #tpu.memory_space<semaphore_mem>> -> memref<!tpu.dma_semaphore, #tpu.memory_space<semaphore_mem>>
    %dma_wait3A_55 = arith.constant 0 : i32
    %dma_wait3A_56 = tpu.memref_slice %arg4[%dma_wait3A_55, %add3A_44] : memref<200x16384xi32, #tpu.memory_space<hbm>> -> memref<200x128xi32, #tpu.memory_space<hbm>>
    %dma_wait3A_57 = arith.constant 0 : i32
    %dma_wait3A_58 = arith.constant 0 : i32
    %dma_wait3A_59 = tpu.memref_slice %arg7[%dma_wait3A_45, %dma_wait3A_57, %dma_wait3A_58] : memref<2x200x128xi32, #tpu.memory_space<vmem>> -> memref<1x200x128xi32, #tpu.memory_space<vmem>>
    %dma_wait3A_60 = tpu.memref_squeeze %dma_wait3A_59 : memref<1x200x128xi32, #tpu.memory_space<vmem>> -> memref<200x128xi32, #tpu.memory_space<vmem>>
    tpu.wait_dma2 semaphore(%dma_wait3A_54 : memref<!tpu.dma_semaphore, #tpu.memory_space<semaphore_mem>>) src(%dma_wait3A_60 : memref<200x128xi32, #tpu.memory_space<vmem>>) dst(%dma_wait3A_56 : memref<200x128xi32, #tpu.memory_space<hbm>>)
    return
  }
}

</mosaic_0001>

<sc_bundles>
// kernel: kernel.3.cloned.1.call-start
scs
__scs_entry_jumppad:
0x0: {  	(pc) =	sbr.rel $0x88, $3  }
0x1: {  	(tag) =	ssettag $0x0;
	lr =	simm.s32 $0x1  }
0x2: {  	[smem:$0x3F9F] =	sst lr;
	_ =	strace $0xD0000000  }
0x3: {  	_ = 	snop  }
0x4: {  	_ = 	snop  }
0x5: {  	_ = 	snop  }
0x6: {  	_ = 	snop  }
0x7: {  	_ = 	snop  }
__scs_overlays_trampoline_lowered:
0x8: {  	[smem:$0x3FAE] =	sst s0  }
0x9: {  	[smem:$0x3FAF] =	sst s1  }
0xa: {  	[smem:$0x3FB0] =	sst s2  }
0xb: {  	[smem:$0x3FB1] =	sst s3  }
0xc: {  	[smem:$0x3FB2] =	sst s4  }
0xd: {  	[smem:$0x3FB3] =	sst s5  }
0xe: {  	[smem:$0x3FB4] =	sst s6  }
0xf: {  	[smem:$0x3FB5] =	sst s7  }
0x10: {  	[smem:$0x3FB6] =	sst s8  }
0x11: {  	[smem:$0x3FB7] =	sst s9;
	s0 =	simm.s32 @!p0 $0x0  }
0x12: {  	s1 =	sld [smem:$0x3F9D];
	s0 =	simm.s32 @p0 $0x1  }
0x13: {  	[smem:$0x3FB8] =	sst s0;
	s0 =	simm.s32 @!p1 $0x0  }
0x14: {  	s2 =	sld [smem:$0x3F9C];
	s0 =	simm.s32 @p1 $0x1  }
0x15: {  	[smem:$0x3FB9] =	sst s0;
	s0 =	simm.s32 @!p2 $0x0  }
0x16: {  	s3 =	sld [smem:$0x3FDB];
	s0 =	simm.s32 @p2 $0x1  }
0x17: {  	s4 =	simm.s32 $0x1BF5;
	[smem:$0x3FBB] =	sst s0  }
0x18: {  	s0 =	sld [smem:$0x3F9E];
	_ =	swait.ge [sflag:s4], $0x0  }
0x19: {  	s7 =	sld [smem:$0x3F9F]  }
0x1a: {  	s8 =	sadd.s32 $0xFFFFE003, lr  }
0x1b: {  	s9 =	sadd.s32 $0xFFFFFEF7, lr;
	s5 =	simm.s32 $0xFFFFFFFF;
	p2 =	slt.u32 s8, $0xFFFFF086  }
0x1c: {  	p1 =	slt.u32 s9, $0xF7A;
	s5 =	simm.s32 @!p2 $0x0  }
0x1d: {  	s5 =	simm.s32 @p1 $0x1;
	p0 =	seq.s32 s7, s2  }
0x1e: {  	s7 =	smul.u32 @!p0 $0xF7A, s2;
	p2 =	seq.s32 @!p0 s5, $0x0  }
0x1f: {  	s9 =	smul.u32 $0xF7A, s1;
	s8 =	simm.s32 @!p0 $0x1BF5;
	p2 =	por !p2, p0  }
0x20: {  	[sflag:s8] =	ssyncset.s32 @!p0 $0xFFFFF086;
	s6 =	sadd.s32 @!p0 s3, s7;
	s7 =	simm.s32 @!p0 $0x108  }
0x21: {  	s3 =	sadd.s32 s3, s9;
	s6 =	sadd.s32 @!p0 $0x88, s6;
	s7 =	simm.s32 @p2 $0x1082  }
0x22: {  	[simem:s7], [sflag:s8] =	dma.local @!p0 [hbm:s6], $0xF7A  }
0x23: {  	s9 =	sor.u32 $0xD0000000, s2;
	s6 =	simm.s32 $0x108;
	_ =	swait.ge @!p0 [sflag:s8], $0x0  }
0x24: {  	s3 =	sadd.s32 $0x88, s3;
	s6 =	simm.s32 @!p1 $0x1082;
	[sflag:s4] =	ssyncset.s32 $0xFFFFF086  }
0x25: {  	[simem:s6], [sflag:s4] =	dma.local [hbm:s3], $0xF7A  }
0x26: {  	[smem:$0x3F9F] =	sst s1;
	(tag) =	ssettag s2;
	_ =	strace s9  }
0x27: {  	s1 =	sld [smem:$0x3FAF]  }
0x28: {  	s2 =	sld [smem:$0x3FB0]  }
0x29: {  	s4 =	sld [smem:$0x3FB2]  }
0x2a: {  	p0 =	seq.s32 s5, $0x0;
	s5 =	sld [smem:$0x3FB3]  }
0x2b: {  	s6 =	sld [smem:$0x3FB4]  }
0x2c: {  	s7 =	sld [smem:$0x3FB5]  }
0x2d: {  	s3 =	simm.s32 $0x108;
	s8 =	sld [smem:$0x3FB6]  }
0x2e: {  	s3 =	simm.s32 @!p0 $0x1082;
	s9 =	sld [smem:$0x3FB7]  }
0x2f: {  	lr =	sadd.s32 s0, s3;
	s0 =	sld [smem:$0x3FAE]  }
0x30: {  	s3 =	sld [smem:$0x3FB1]  }
0x31: {  	[smem:$0x3FBA] =	sst s10  }
0x32: {  	s10 =	sld [smem:$0x3FB8];
	_ =	sdelay $0x3  }
0x33: {  	p0 =	seq.s32 s10, $0x1;
	s10 =	sld [smem:$0x3FBA];
	_ =	sdelay $0x3  }
0x34: {  	[smem:$0x3FBA] =	sst s10  }
0x35: {  	s10 =	sld [smem:$0x3FB9];
	_ =	sdelay $0x3  }
0x36: {  	p1 =	seq.s32 s10, $0x1;
	s10 =	sld [smem:$0x3FBA];
	_ =	sdelay $0x3  }
0x37: {  	[smem:$0x3FBA] =	sst s10  }
0x38: {  	s10 =	sld [smem:$0x3FBB]  }
0x39: {  	_ = 	snop;
	(pc) =	sbr.ind lr, $3  }
0x3a: {  	_ = 	snop  }
0x3b: {  	_ = 	snop  }
0x3c: {  	p2 =	seq.s32 s10, $0x1;
	s10 =	sld [smem:$0x3FBA]  }
0x3d: {  	_ =	shalt  }
0x3e: {  	_ =	shalt  }
0x3f: {  	_ =	shalt  }
0x40: {  	_ =	shalt  }
0x41: {  	_ =	shalt  }
0x42: {  	_ =	shalt  }
0x43: {  	_ =	shalt  }
0x44: {  	_ =	shalt  }
0x45: {  	_ =	shalt  }
0x46: {  	_ =	shalt  }
0x47: {  	_ =	shalt  }
0x48: {  	_ =	shalt  }
0x49: {  	_ =	shalt  }
0x4a: {  	_ =	shalt  }
0x4b: {  	_ =	shalt  }
0x4c: {  	_ =	shalt  }
0x4d: {  	_ =	shalt  }
0x4e: {  	_ =	shalt  }
0x4f: {  	_ =	shalt  }
0x50: {  	_ =	shalt  }
0x51: {  	_ =	shalt  }
0x52: {  	_ =	shalt  }
0x53: {  	_ =	shalt  }
0x54: {  	_ =	shalt  }
0x55: {  	_ =	shalt  }
0x56: {  	_ =	shalt  }
0x57: {  	_ =	shalt  }
0x58: {  	_ =	shalt  }
0x59: {  	_ =	shalt  }
0x5a: {  	_ =	shalt  }
0x5b: {  	_ =	shalt  }
0x5c: {  	_ =	shalt  }
0x5d: {  	_ =	shalt  }
0x5e: {  	_ =	shalt  }
0x5f: {  	_ =	shalt  }
0x60: {  	_ =	shalt  }
0x61: {  	_ =	shalt  }
0x62: {  	_ =	shalt  }
0x63: {  	_ =	shalt  }
0x64: {  	_ =	shalt  }
0x65: {  	_ =	shalt  }
0x66: {  	_ =	shalt  }
0x67: {  	_ =	shalt  }
0x68: {  	_ =	shalt  }
0x69: {  	_ =	shalt  }
0x6a: {  	_ =	shalt  }
0x6b: {  	_ =	shalt  }
0x6c: {  	_ =	shalt  }
0x6d: {  	_ =	shalt  }
0x6e: {  	_ =	shalt  }
0x6f: {  	_ =	shalt  }
0x70: {  	_ =	shalt  }
0x71: {  	_ =	shalt  }
0x72: {  	_ =	shalt  }
0x73: {  	_ =	shalt  }
0x74: {  	_ =	shalt  }
0x75: {  	_ =	shalt  }
0x76: {  	_ =	shalt  }
0x77: {  	_ =	shalt  }
0x78: {  	_ =	shalt  }
0x79: {  	_ =	shalt  }
0x7a: {  	_ =	shalt  }
0x7b: {  	_ =	shalt  }
0x7c: {  	_ =	shalt  }
0x7d: {  	_ =	shalt  }
0x7e: {  	_ =	shalt  }
0x7f: {  	_ =	shalt  }
0x80: {  	_ =	shalt  }
0x81: {  	_ =	shalt  }
0x82: {  	_ =	shalt  }
0x83: {  	_ =	shalt  }
0x84: {  	_ =	shalt  }
0x85: {  	_ =	shalt  }
0x86: {  	_ =	shalt  }
0x87: {  	_ =	shalt  }
.Lfunc_end0:
.L_simem_size_0:
called_computation_lowered:
.L_overlay_start_0:
0x88: {  	s2 =	sld [smem:$0x3FD9]  }
0x89: {  	s3 =	sld [smem:$0x3FFE];
	_ =	sdelay $0x1  }
0x8a: {  	s1 =	srdreg.scid  }
0x8b: {  	s0 =	sand.u32 $0x1, s1  }
0x8c: {  	s18 =	sshll.u32 s0, $0xA;
	s2 =	sadd.s32 s3, s2  }
0x8d: {  	s2 =	sadd.s32 s2, s18  }
0x8e: {  	[smem:$0x3FC6] =	sst s2  }
0x8f: {  	_ = 	snop  }
0x90: {  	s2 =	sld [smem:$0x3FC9]  }
0x91: {  	s19 =	sld [smem:$0x3FC8]  }
0x92: {  	s4 =	sld [smem:$0x3FD0];
	(tm) =	ssettm $0x1  }
0x93: {  	s5 =	sld [smem:$0x3FFB];
	_ =	sdelay $0x3  }
0x94: {  	_ =	strace s5  }
0x95: {  	s5 =	sld [smem:$0x3FFC];
	_ =	sdelay $0x3  }
0x96: {  	_ =	strace s5  }
0x97: {  	s5 =	sld [smem:$0x3FFD];
	_ =	sdelay $0x3  }
0x98: {  	_ =	strace s5  }
0x99: {  	_ =	strace $0x8FFFFFFF  }
0x9a: {  	s20 =	sld [smem:$0x3FDB];
	_ =	sdelay $0x1  }
0x9b: {  	s6 =	simm.s32 $_scs_section_size  }
0x9c: {  	s7 =	simm.s32 $_size__tile_overlayer_lowered;
	s8 =	simm.s32 $_tile_overlayer_lowered  }
0x9d: {  	s23 =	simm.s32 $0x1BFF;
	s22 =	sshll.u32 s8, $0x1;
	s5 =	sadd.s32 s6, s20  }
0x9e: {  	s9 =	simm.s32 $0x0;
	s21 =	sshll.u32 s7, $0x1;
	s7 =	sadd.s32 s22, s5  }
0x9f: {  	[timem:s9], [sflag:s23] =	dma.local [hbm:s7], s21  }
0xa0: {  	_ =	swait.ge [sflag:s23], s21  }
0xa1: {  	s6 =	ssub.s32 $0x0, s21;
	[sflag:s23] =	ssyncset.done $0x0  }
0xa2: {  	[sflag:s23] =	ssyncadd.s32 s6;
	_ =	sdelay $0x1  }
0xa3: {  	s24 =	simm.s32 $0x1B8B  }
0xa4: {  	_ =	swait.ge [sflag:s24], $0x1  }
0xa5: {  	[sflag:s24] =	ssyncset.done $0x0  }
0xa6: {  	s25 =	simm.s32 $0x1B8E;
	[sflag:s24] =	ssyncadd.s32 $0xFFFFFFFF  }
0xa7: {  	s26 =	simm.s32 $execute0_lowered;
	[smem:$0x3FD2] =	sst s25  }
0xa8: {  	s6 =	sshll.u32 s26, $0x1;
	_ =	strace $0x80000046;
	[dreg:$0x1] =	wrdreg $0xFFFFFFFF  }
0xa9: {  	s28 =	simm.s32 $_size_execute0_lowered;
	s5 =	sadd.s32 s5, s6;
	[dreg:$0x0] =	wrdreg $0x0  }
0xaa: {  	s6 =	sshll.u32 s28, $0x1;
	[dreg:$0x2] =	wrdreg s5  }
0xab: {  	[dreg:$0x3] =	wrdreg s6  }
0xac: {  	[dreg:$0x4] =	wrdreg $0xC0  }
0xad: {  	_ =	task [dreg:s9], $0x5FFFF  }
0xae: {  	[dreg:$0x1] =	wrdreg $0xFFFFFFFF  }
0xaf: {  	[dreg:$0x0] =	wrdreg $0x60  }
0xb0: {  	[dreg:$0x2] =	wrdreg s2  }
0xb1: {  	[dreg:$0x3] =	wrdreg s19  }
0xb2: {  	[dreg:$0x4] =	wrdreg s4  }
0xb3: {  	[dreg:$0x5] =	wrdreg $0x9  }
0xb4: {  	_ =	task.clear_ibuf [dreg:s9], $0x6FFFF;
	_ =	strace $0x90000046  }
0xb5: {  	s29 =	simm.s32 $0x9;
	_ =	strace $0x80000048  }
0xb6: {  	_ =	swait.ge [sflag:s29], $0x1  }
0xb7: {  	[sflag:s29] =	ssyncadd.s32 $0xFFFFFFFF  }
0xb8: {  	_ =	strace $0x90000048  }
0xb9: {  	_ =	sfence  }
0xba: {  	s30 =	sld [smem:$0x0];
	_ =	sdelay $0x2  }
0xbb: {  	s31 =	sshll.u32 s1, $0xD;
	s1 =	sshrl.u32 s1, $0x2  }
0xbc: {  	s3 =	sand.u32 $0x4000, s31;
	s1 =	sadd.s32 s1, s30  }
0xbd: {  	s0 =	sor.u32 s3, s0;
	s1 =	sshll.u32 s1, $0x11  }
0xbe: {  	s0 =	sor.u32 s1, s0  }
0xbf: {  	s0 =	sadd.s32 $0x8F2B, s0  }
0xc0: {  	[sflag:s0] =	ssyncadd.remote.s32 $0x1  }
0xc1: {  	_ =	sfence.sel $0xFFFF  }
0xc2: {  	[dreg:$0x0] =	wrdreg $0xFFFFFFFF;
	(pc) =	sbr.abs _section_cstart, $3  }
0xc3: {  	[dreg:$0x1] =	wrdreg $0xFFFFFFFF  }
0xc4: {  	_ =	task.clear_ibuf [dreg:s9], $0x2FFFF;
	_ =	strace $0x9FFFFFFF  }
0xc5: {  	(tm) =	ssettm $0x7FFFFFFF  }
tec
execute0_lowered:
.L_overlay_start_1:
0x0: {  	(tag) =	ssettag $0x1  }
0x1: {  	s4 =	rddreg [dreg:$0x0]  }
0x2: {  	s1 =	rddreg [dreg:$0x1]  }
0x3: {  	s5 =	rddreg [dreg:$0x2]  }
0x4: {  	s0 =	rddreg [dreg:$0x3];
	s6 =	srdreg.scid  }
0x5: {  	s3 =	simm.s32 $0x0;
	s2 =	stileid.u32;
	s10 =	simm.s32 $0x5  }
0x6: {  	s11 =	simm.s32 $0x3;
	s12 =	simm.s32 $0x4;
	s13 =	simm.s32 $0x0  }
0x7: {  	s6 =	sand.u32 $0x1, s6;
	s8 =	sshll.u32 s2, $0xA;
	[smem:$0x7FF] =	sst s3  }
0x8: {  	s7 =	ssub.s32 $0x2, s6;
	s6 =	sshll.u32 s6, $0x9;
	_ =	strace $0x80000047  }
0x9: {  	s9 =	sshrl.u32 s7, $0x1;
	s6 =	sor.u32 s6, s8;
	s8 =	simm.s32 $0x20000  }
0xa: {  	s7 =	ssub.s32 s7, s9;
	s4 =	sadd.s32 s4, s6;
	s5 =	sadd.s32 s5, s6  }
0xb: {  	s9 =	simm.s32 $0x80;
	s6 =	smax.u32 s7, $0x1;
	s7 =	simm.s32 $0x400  }
.LBB2_1:
0xc: {  	[tilespmem:s9], [sflag:$0x1] =	stream.strided.gather [hbm4b:s4+s7], $0x6400, s8, s7, $0x38;
	[tilespmem:$0x19080] =	vst v63  }
0xd: {  	_ = 	snop  }
0xe: {  	[tilespmem:s3], [sflag:$0x5] =	stream.linear.gather [hbm4b:s1+s3], $0x80, $0x38;
	[tilespmem:$0x19080] =	vst v63  }
0xf: {  	_ =	swait.ge [sflag:s10], $0x80  }
0x10: {  	[sflag:s10] =	ssyncset.done $0x0  }
0x11: {  	p0 =	por $0x0, $0x0;
	s14 =	simm.s32 $0x0;
	[sflag:s10] =	ssyncadd.s32 $0xFFFFFF80  }
.LBB2_2:
0x12: {  	s16 =	sand.u32 $0x1, s14  }
0x13: {  	p1 =	seq.s32 s14, $0x3;
	s15 =	sadd.s32 $0x1, s16  }
0x14: {  	s17 =	sxor.u32 @!p1 $0x1, s16;
	_ =	swait.ge [sflag:s15], $0x6400  }
0x15: {  	s18 =	smul.u32 @!p1 $0x19000, s17;
	[sflag:s15] =	ssyncset.done $0x0  }
0x16: {  	s20 =	simm.s32 @!p1 $0x400;
	[sflag:s15] =	ssyncadd.s32 $0xFFFF9C00;
	s15 =	sadd.s32 $0x1, s14  }
0x17: {  	s21 =	simm.s32 @!p1 $0x20000;
	s18 =	sshrl.u32 @!p1 s18, $0x2;
	s19 =	sshll.u32 @!p1 s15, $0x7  }
0x18: {  	s17 =	sadd.s32 @!p1 $0x1, s17;
	s18 =	sor.u32 @!p1 $0x80, s18;
	s19 =	sadd.s32 @!p1 s19, s4  }
0x19: {  	[tilespmem:s18], [sflag:s17] =	stream.strided.gather @!p1 [hbm4b:s19+s20], $0x6400, s21, s20, $0x38;
	[tilespmem:$0x19080] =	vst v63  }
0x1a: {  	s18 =	simm.s32 $0x1  }
0x1b: {  	p2 =	slt.u32 @!p1 s14, $0x2;
	s18 =	simm.s32 @!p0 $0x0  }
0x1c: {  	p1 =	por p1, !p2;
	s17 =	sadd.s32 $0x3, s16;
	s18 =	smul.u32 $0x19000, s18  }
0x1d: {  	_ =	swait.ge @p1 [sflag:s17], $0x6400  }
0x1e: {  	[sflag:s17] =	ssyncset.done @p1 $0x0;
	s18 =	sshrl.u32 s18, $0x2  }
0x1f: {  	[sflag:s17] =	ssyncadd.s32 @p1 $0xFFFF9C00;
	s31 =	sor.u32 $0x280, s18  }
0x20: {  	v0 =	vld [tilespmem:s31+$0x180]  }
0x21: {  	v1 =	vld [tilespmem:s31+$0xFFFFFE80]  }
0x22: {  	v2 =	vld [tilespmem:s31+$0xFFFFFF00]  }
0x23: {  	v3 =	vld [tilespmem:s31+$0xFFFFFF80]  }
0x24: {  	v4 =	vld [tilespmem:s31+$0x0]  }
0x25: {  	v5 =	vld [tilespmem:s31+$0x80]  }
0x26: {  	v6 =	vld [tilespmem:s31+$0x100]  }
0x27: {  	v7 =	vld [tilespmem:s31+$0xFFFFFE00]  }
0x28: {  	v0 =	vld.idx.msk [tilespmem:v0+s3+$0x0], $0xffff  }
0x29: {  	v1 =	vld.idx.msk [tilespmem:v1+s3+$0x0], $0xffff  }
0x2a: {  	v2 =	vld.idx.msk [tilespmem:v2+s3+$0x0], $0xffff  }
0x2b: {  	v3 =	vld.idx.msk [tilespmem:v3+s3+$0x0], $0xffff  }
0x2c: {  	v4 =	vld.idx.msk [tilespmem:v4+s3+$0x0], $0xffff  }
0x2d: {  	s18 =	sadd.s32 $0xCA80, s18;
	v5 =	vld.idx.msk [tilespmem:v5+s3+$0x0], $0xffff  }
0x2e: {  	v6 =	vld.idx.msk [tilespmem:v6+s3+$0x0], $0xffff;
	[tilespmem:s18+$0x180] =	vst v0  }
0x2f: {  	[tilespmem:s18+$0xFFFFFE80] =	vst v1;
	v1 =	vld.idx.msk [tilespmem:v7+s3+$0x0], $0xffff  }
0x30: {  	v0 =	vld [tilespmem:s31+$0x190]  }
0x31: {  	[tilespmem:s18+$0xFFFFFF00] =	vst v2;
	v2 =	vld [tilespmem:s31+$0xFFFFFE90]  }
0x32: {  	[tilespmem:s18+$0xFFFFFF80] =	vst v3;
	v3 =	vld [tilespmem:s31+$0xFFFFFF10]  }
0x33: {  	[tilespmem:s18+$0x0] =	vst v4;
	v4 =	vld [tilespmem:s31+$0xFFFFFF90]  }
0x34: {  	[tilespmem:s18+$0x80] =	vst v5;
	v5 =	vld [tilespmem:s31+$0x10]  }
0x35: {  	[tilespmem:s18+$0x100] =	vst v6;
	v6 =	vld [tilespmem:s31+$0x90]  }
0x36: {  	v7 =	vld [tilespmem:s31+$0x110];
	[tilespmem:s18+$0xFFFFFE00] =	vst v1  }
0x37: {  	v1 =	vld [tilespmem:s31+$0xFFFFFE10]  }
0x38: {  	v0 =	vld.idx.msk [tilespmem:v0+s3+$0x0], $0xffff  }
0x39: {  	v2 =	vld.idx.msk [tilespmem:v2+s3+$0x0], $0xffff  }
0x3a: {  	v3 =	vld.idx.msk [tilespmem:v3+s3+$0x0], $0xffff  }
0x3b: {  	v4 =	vld.idx.msk [tilespmem:v4+s3+$0x0], $0xffff  }
0x3c: {  	v5 =	vld.idx.msk [tilespmem:v5+s3+$0x0], $0xffff  }
0x3d: {  	v6 =	vld.idx.msk [tilespmem:v6+s3+$0x0], $0xffff  }
0x3e: {  	v7 =	vld.idx.msk [tilespmem:v7+s3+$0x0], $0xffff  }
0x3f: {  	[tilespmem:s18+$0x190] =	vst v0;
	v1 =	vld.idx.msk [tilespmem:v1+s3+$0x0], $0xffff  }
0x40: {  	[tilespmem:s18+$0xFFFFFE90] =	vst v2;
	v0 =	vld [tilespmem:s31+$0x1A0]  }
0x41: {  	[tilespmem:s18+$0xFFFFFF10] =	vst v3;
	v2 =	vld [tilespmem:s31+$0xFFFFFEA0]  }
0x42: {  	[tilespmem:s18+$0xFFFFFF90] =	vst v4;
	v3 =	vld [tilespmem:s31+$0xFFFFFF20]  }
0x43: {  	[tilespmem:s18+$0x10] =	vst v5;
	v4 =	vld [tilespmem:s31+$0xFFFFFFA0]  }
0x44: {  	[tilespmem:s18+$0x90] =	vst v6;
	v5 =	vld [tilespmem:s31+$0x20]  }
0x45: {  	v6 =	vld [tilespmem:s31+$0xA0];
	[tilespmem:s18+$0xFFFFFE10] =	vst v1  }
0x46: {  	[tilespmem:s18+$0x110] =	vst v7;
	v1 =	vld [tilespmem:s31+$0xFFFFFE20]  }
0x47: {  	v7 =	vld [tilespmem:s31+$0x120]  }
0x48: {  	v0 =	vld.idx.msk [tilespmem:v0+s3+$0x0], $0xffff  }
0x49: {  	v2 =	vld.idx.msk [tilespmem:v2+s3+$0x0], $0xffff  }
0x4a: {  	v3 =	vld.idx.msk [tilespmem:v3+s3+$0x0], $0xffff  }
0x4b: {  	v4 =	vld.idx.msk [tilespmem:v4+s3+$0x0], $0xffff  }
0x4c: {  	v5 =	vld.idx.msk [tilespmem:v5+s3+$0x0], $0xffff  }
0x4d: {  	v6 =	vld.idx.msk [tilespmem:v6+s3+$0x0], $0xffff  }
0x4e: {  	[tilespmem:s18+$0x1A0] =	vst v0;
	v1 =	vld.idx.msk [tilespmem:v1+s3+$0x0], $0xffff  }
0x4f: {  	[tilespmem:s18+$0xFFFFFEA0] =	vst v2;
	v2 =	vld.idx.msk [tilespmem:v7+s3+$0x0], $0xffff  }
0x50: {  	[tilespmem:s18+$0xFFFFFF20] =	vst v3;
	v0 =	vld [tilespmem:s31+$0x1B0]  }
0x51: {  	[tilespmem:s18+$0xFFFFFFA0] =	vst v4;
	v3 =	vld [tilespmem:s31+$0xFFFFFEB0]  }
0x52: {  	[tilespmem:s18+$0x20] =	vst v5;
	v4 =	vld [tilespmem:s31+$0xFFFFFF30]  }
0x53: {  	[tilespmem:s18+$0xA0] =	vst v6;
	v5 =	vld [tilespmem:s31+$0xFFFFFFB0]  }
0x54: {  	v7 =	vld [tilespmem:s31+$0x30];
	[tilespmem:s18+$0xFFFFFE20] =	vst v1  }
0x55: {  	[tilespmem:s18+$0x120] =	vst v2;
	v2 =	vld [tilespmem:s31+$0xB0]  }
0x56: {  	v1 =	vld [tilespmem:s31+$0xFFFFFE30]  }
0x57: {  	v6 =	vld [tilespmem:s31+$0x130]  }
0x58: {  	v0 =	vld.idx.msk [tilespmem:v0+s3+$0x0], $0xffff  }
0x59: {  	v3 =	vld.idx.msk [tilespmem:v3+s3+$0x0], $0xffff  }
0x5a: {  	v4 =	vld.idx.msk [tilespmem:v4+s3+$0x0], $0xffff  }
0x5b: {  	v5 =	vld.idx.msk [tilespmem:v5+s3+$0x0], $0xffff  }
0x5c: {  	v7 =	vld.idx.msk [tilespmem:v7+s3+$0x0], $0xffff  }
0x5d: {  	v2 =	vld.idx.msk [tilespmem:v2+s3+$0x0], $0xffff  }
0x5e: {  	[tilespmem:s18+$0x1B0] =	vst v0;
	v1 =	vld.idx.msk [tilespmem:v1+s3+$0x0], $0xffff  }
0x5f: {  	[tilespmem:s18+$0xFFFFFEB0] =	vst v3;
	v3 =	vld.idx.msk [tilespmem:v6+s3+$0x0], $0xffff  }
0x60: {  	[tilespmem:s18+$0xFFFFFF30] =	vst v4;
	v0 =	vld [tilespmem:s31+$0x1C0]  }
0x61: {  	[tilespmem:s18+$0xFFFFFFB0] =	vst v5;
	v4 =	vld [tilespmem:s31+$0xFFFFFEC0]  }
0x62: {  	[tilespmem:s18+$0x30] =	vst v7;
	v5 =	vld [tilespmem:s31+$0xFFFFFF40]  }
0x63: {  	v6 =	vld [tilespmem:s31+$0xFFFFFFC0];
	[tilespmem:s18+$0xB0] =	vst v2  }
0x64: {  	v2 =	vld [tilespmem:s31+$0x40];
	[tilespmem:s18+$0xFFFFFE30] =	vst v1  }
0x65: {  	[tilespmem:s18+$0x130] =	vst v3;
	v3 =	vld [tilespmem:s31+$0xC0]  }
0x66: {  	v1 =	vld [tilespmem:s31+$0xFFFFFE40]  }
0x67: {  	v7 =	vld [tilespmem:s31+$0x140]  }
0x68: {  	v0 =	vld.idx.msk [tilespmem:v0+s3+$0x0], $0xffff  }
0x69: {  	v4 =	vld.idx.msk [tilespmem:v4+s3+$0x0], $0xffff  }
0x6a: {  	v5 =	vld.idx.msk [tilespmem:v5+s3+$0x0], $0xffff  }
0x6b: {  	v6 =	vld.idx.msk [tilespmem:v6+s3+$0x0], $0xffff  }
0x6c: {  	v2 =	vld.idx.msk [tilespmem:v2+s3+$0x0], $0xffff  }
0x6d: {  	v3 =	vld.idx.msk [tilespmem:v3+s3+$0x0], $0xffff  }
0x6e: {  	[tilespmem:s18+$0x1C0] =	vst v0;
	v1 =	vld.idx.msk [tilespmem:v1+s3+$0x0], $0xffff  }
0x6f: {  	[tilespmem:s18+$0xFFFFFEC0] =	vst v4;
	v4 =	vld.idx.msk [tilespmem:v7+s3+$0x0], $0xffff  }
0x70: {  	[tilespmem:s18+$0xFFFFFF40] =	vst v5;
	v0 =	vld [tilespmem:s31+$0x1D0]  }
0x71: {  	[tilespmem:s18+$0xFFFFFFC0] =	vst v6;
	v5 =	vld [tilespmem:s31+$0xFFFFFED0]  }
0x72: {  	v7 =	vld [tilespmem:s31+$0xFFFFFF50];
	[tilespmem:s18+$0x40] =	vst v2  }
0x73: {  	v2 =	vld [tilespmem:s31+$0xFFFFFFD0];
	[tilespmem:s18+$0xC0] =	vst v3  }
0x74: {  	v3 =	vld [tilespmem:s31+$0x50];
	[tilespmem:s18+$0xFFFFFE40] =	vst v1  }
0x75: {  	[tilespmem:s18+$0x140] =	vst v4;
	v4 =	vld [tilespmem:s31+$0xD0]  }
0x76: {  	v1 =	vld [tilespmem:s31+$0xFFFFFE50]  }
0x77: {  	v6 =	vld [tilespmem:s31+$0x150]  }
0x78: {  	v0 =	vld.idx.msk [tilespmem:v0+s3+$0x0], $0xffff  }
0x79: {  	v5 =	vld.idx.msk [tilespmem:v5+s3+$0x0], $0xffff  }
0x7a: {  	v7 =	vld.idx.msk [tilespmem:v7+s3+$0x0], $0xffff  }
0x7b: {  	v2 =	vld.idx.msk [tilespmem:v2+s3+$0x0], $0xffff  }
0x7c: {  	v3 =	vld.idx.msk [tilespmem:v3+s3+$0x0], $0xffff  }
0x7d: {  	v4 =	vld.idx.msk [tilespmem:v4+s3+$0x0], $0xffff  }
0x7e: {  	[tilespmem:s18+$0x1D0] =	vst v0;
	v1 =	vld.idx.msk [tilespmem:v1+s3+$0x0], $0xffff  }
0x7f: {  	[tilespmem:s18+$0xFFFFFED0] =	vst v5;
	v5 =	vld.idx.msk [tilespmem:v6+s3+$0x0], $0xffff  }
0x80: {  	[tilespmem:s18+$0xFFFFFF50] =	vst v7;
	v0 =	vld [tilespmem:s31+$0x1E0]  }
0x81: {  	v6 =	vld [tilespmem:s31+$0xFFFFFEE0];
	[tilespmem:s18+$0xFFFFFFD0] =	vst v2  }
0x82: {  	v2 =	vld [tilespmem:s31+$0xFFFFFF60];
	[tilespmem:s18+$0x50] =	vst v3  }
0x83: {  	v3 =	vld [tilespmem:s31+$0xFFFFFFE0];
	[tilespmem:s18+$0xFFFFFE50] =	vst v1  }
0x84: {  	v1 =	vld [tilespmem:s31+$0xFFFFFE60]  }
0x85: {  	[tilespmem:s18+$0xD0] =	vst v4;
	v4 =	vld [tilespmem:s31+$0x60]  }
0x86: {  	[tilespmem:s18+$0x150] =	vst v5;
	v5 =	vld [tilespmem:s31+$0xE0]  }
0x87: {  	v7 =	vld [tilespmem:s31+$0x160]  }
0x88: {  	v0 =	vld.idx.msk [tilespmem:v0+s3+$0x0], $0xffff  }
0x89: {  	v6 =	vld.idx.msk [tilespmem:v6+s3+$0x0], $0xffff  }
0x8a: {  	v2 =	vld.idx.msk [tilespmem:v2+s3+$0x0], $0xffff  }
0x8b: {  	v3 =	vld.idx.msk [tilespmem:v3+s3+$0x0], $0xffff  }
0x8c: {  	v1 =	vld.idx.msk [tilespmem:v1+s3+$0x0], $0xffff  }
0x8d: {  	v4 =	vld.idx.msk [tilespmem:v4+s3+$0x0], $0xffff  }
0x8e: {  	v5 =	vld.idx.msk [tilespmem:v5+s3+$0x0], $0xffff;
	[tilespmem:s18+$0x1E0] =	vst v0  }
0x8f: {  	[tilespmem:s18+$0xFFFFFEE0] =	vst v6;
	v0 =	vld [tilespmem:s31+$0x1F0]  }
0x90: {  	v7 =	vld.idx.msk [tilespmem:v7+s3+$0x0], $0xffff;
	[tilespmem:s18+$0xFFFFFF60] =	vst v2  }
0x91: {  	v2 =	vld [tilespmem:s31+$0xFFFFFEF0];
	[tilespmem:s18+$0xFFFFFE60] =	vst v1  }
0x92: {  	v1 =	vld [tilespmem:s31+$0xFFFFFE70]  }
0x93: {  	[tilespmem:s18+$0xFFFFFFE0] =	vst v3;
	v3 =	vld [tilespmem:s31+$0xFFFFFF70]  }
0x94: {  	v8 =	vld [tilespmem:s31+$0xFFFFFFF0];
	[tilespmem:s18+$0xE0] =	vst v5  }
0x95: {  	[tilespmem:s18+$0x60] =	vst v4;
	v10 =	vld [tilespmem:s31+$0xF0]  }
0x96: {  	v9 =	vld [tilespmem:s31+$0x70]  }
0x97: {  	[tilespmem:s18+$0x160] =	vst v7;
	v11 =	vld.idx.msk [tilespmem:v0+s3+$0x0], $0xffff  }
0x98: {  	v0 =	vld [tilespmem:s31+$0x170]  }
0x99: {  	v5 =	vld.idx.msk [tilespmem:v2+s3+$0x0], $0xffff  }
0x9a: {  	v6 =	vld.idx.msk [tilespmem:v1+s3+$0x0], $0xffff  }
0x9b: {  	v4 =	vld.idx.msk [tilespmem:v3+s3+$0x0], $0xffff  }
0x9c: {  	v2 =	vld.idx.msk [tilespmem:v8+s3+$0x0], $0xffff  }
0x9d: {  	v3 =	vld.idx.msk [tilespmem:v10+s3+$0x0], $0xffff  }
0x9e: {  	s20 =	simm.s32 $0x0;
	s21 =	sadd.s32 $0x400, s31;
	s19 =	smov.u32 s18;
	v1 =	vld.idx.msk [tilespmem:v9+s3+$0x0], $0xffff;
	[tilespmem:s18+$0x1F0] =	vst v11  }
.LBB2_3:
0x9f: {  	v7 =	vld [tilespmem:s21+$0x180];
	s20 =	sadd.s32 $0x8, s20;
	[tilespmem:s18+$0xFFFFFE70] =	vst v6  }
0xa0: {  	v6 =	vld [tilespmem:s21+$0xFFFFFE80];
	p1 =	slt.u32 s20, $0xC0;
	[tilespmem:s18+$0xFFFFFEF0] =	vst v5  }
0xa1: {  	v5 =	vld [tilespmem:s21+$0xFFFFFF00];
	[tilespmem:s18+$0xFFFFFF70] =	vst v4  }
0xa2: {  	v4 =	vld [tilespmem:s21+$0xFFFFFF80];
	[tilespmem:s18+$0xFFFFFFF0] =	vst v2  }
0xa3: {  	v2 =	vld [tilespmem:s21+$0x0];
	[tilespmem:s18+$0x70] =	vst v1  }
0xa4: {  	v1 =	vld [tilespmem:s21+$0x80];
	[tilespmem:s18+$0xF0] =	vst v3  }
0xa5: {  	v3 =	vld [tilespmem:s21+$0x100]  }
0xa6: {  	v8 =	vld [tilespmem:s21+$0xFFFFFE00]  }
0xa7: {  	v7 =	vld.idx.msk [tilespmem:v7+s3+$0x0], $0xffff  }
0xa8: {  	v6 =	vld.idx.msk [tilespmem:v6+s3+$0x0], $0xffff  }
0xa9: {  	v5 =	vld.idx.msk [tilespmem:v5+s3+$0x0], $0xffff  }
0xaa: {  	v4 =	vld.idx.msk [tilespmem:v4+s3+$0x0], $0xffff  }
0xab: {  	v2 =	vld.idx.msk [tilespmem:v2+s3+$0x0], $0xffff  }
0xac: {  	s18 =	sadd.s32 $0x400, s18;
	v1 =	vld.idx.msk [tilespmem:v1+s3+$0x0], $0xffff  }
0xad: {  	v3 =	vld.idx.msk [tilespmem:v3+s3+$0x0], $0xffff;
	[tilespmem:s18+$0x180] =	vst v7  }
0xae: {  	[tilespmem:s18+$0xFFFFFE80] =	vst v6;
	v6 =	vld [tilespmem:s21+$0x190]  }
0xaf: {  	v7 =	vld.idx.msk [tilespmem:v8+s3+$0x0], $0xffff;
	[tilespmem:s18+$0xFFFFFF00] =	vst v5  }
0xb0: {  	v5 =	vld [tilespmem:s21+$0xFFFFFE90];
	[tilespmem:s18+$0xFFFFFF80] =	vst v4  }
0xb1: {  	v4 =	vld [tilespmem:s21+$0xFFFFFF10];
	[tilespmem:s18+$0x0] =	vst v2  }
0xb2: {  	v2 =	vld [tilespmem:s21+$0xFFFFFF90];
	[tilespmem:s18+$0x80] =	vst v1  }
0xb3: {  	v1 =	vld [tilespmem:s21+$0x10];
	[tilespmem:s18+$0x100] =	vst v3  }
0xb4: {  	v3 =	vld [tilespmem:s21+$0x90]  }
0xb5: {  	[tilespmem:s18+$0xFFFFFE00] =	vst v7;
	v7 =	vld [tilespmem:s21+$0x110]  }
0xb6: {  	v6 =	vld.idx.msk [tilespmem:v6+s3+$0x0], $0xffff  }
0xb7: {  	v8 =	vld [tilespmem:s21+$0xFFFFFE10]  }
0xb8: {  	v5 =	vld.idx.msk [tilespmem:v5+s3+$0x0], $0xffff  }
0xb9: {  	v4 =	vld.idx.msk [tilespmem:v4+s3+$0x0], $0xffff  }
0xba: {  	v2 =	vld.idx.msk [tilespmem:v2+s3+$0x0], $0xffff  }
0xbb: {  	v1 =	vld.idx.msk [tilespmem:v1+s3+$0x0], $0xffff  }
0xbc: {  	v3 =	vld.idx.msk [tilespmem:v3+s3+$0x0], $0xffff;
	[tilespmem:s18+$0x190] =	vst v6  }
0xbd: {  	v6 =	vld [tilespmem:s21+$0x1A0]  }
0xbe: {  	[tilespmem:s18+$0xFFFFFE90] =	vst v5;
	v5 =	vld.idx.msk [tilespmem:v7+s3+$0x0], $0xffff  }
0xbf: {  	v7 =	vld.idx.msk [tilespmem:v8+s3+$0x0], $0xffff;
	[tilespmem:s18+$0xFFFFFF10] =	vst v4  }
0xc0: {  	v4 =	vld [tilespmem:s21+$0xFFFFFEA0];
	[tilespmem:s18+$0xFFFFFF90] =	vst v2  }
0xc1: {  	v2 =	vld [tilespmem:s21+$0xFFFFFF20];
	[tilespmem:s18+$0x10] =	vst v1  }
0xc2: {  	v1 =	vld [tilespmem:s21+$0xFFFFFFA0];
	[tilespmem:s18+$0x90] =	vst v3  }
0xc3: {  	v3 =	vld [tilespmem:s21+$0x20]  }
0xc4: {  	v8 =	vld [tilespmem:s21+$0xA0];
	[tilespmem:s18+$0x110] =	vst v5  }
0xc5: {  	[tilespmem:s18+$0xFFFFFE10] =	vst v7;
	v5 =	vld.idx.msk [tilespmem:v6+s3+$0x0], $0xffff  }
0xc6: {  	v6 =	vld [tilespmem:s21+$0xFFFFFE20]  }
0xc7: {  	v7 =	vld [tilespmem:s21+$0x120]  }
0xc8: {  	v4 =	vld.idx.msk [tilespmem:v4+s3+$0x0], $0xffff  }
0xc9: {  	v2 =	vld.idx.msk [tilespmem:v2+s3+$0x0], $0xffff  }
0xca: {  	v1 =	vld.idx.msk [tilespmem:v1+s3+$0x0], $0xffff  }
0xcb: {  	v3 =	vld.idx.msk [tilespmem:v3+s3+$0x0], $0xffff;
	[tilespmem:s18+$0x1A0] =	vst v5  }
0xcc: {  	v5 =	vld [tilespmem:s21+$0x1B0]  }
0xcd: {  	v8 =	vld.idx.msk [tilespmem:v8+s3+$0x0], $0xffff  }
0xce: {  	v6 =	vld.idx.msk [tilespmem:v6+s3+$0x0], $0xffff;
	[tilespmem:s18+$0xFFFFFEA0] =	vst v4  }
0xcf: {  	[tilespmem:s18+$0xFFFFFF20] =	vst v2;
	v2 =	vld.idx.msk [tilespmem:v7+s3+$0x0], $0xffff  }
0xd0: {  	v4 =	vld [tilespmem:s21+$0xFFFFFEB0];
	[tilespmem:s18+$0xFFFFFFA0] =	vst v1  }
0xd1: {  	v1 =	vld [tilespmem:s21+$0xFFFFFF30];
	[tilespmem:s18+$0x20] =	vst v3  }
0xd2: {  	v3 =	vld [tilespmem:s21+$0xFFFFFFB0]  }
0xd3: {  	v7 =	vld [tilespmem:s21+$0x30];
	[tilespmem:s18+$0xA0] =	vst v8  }
0xd4: {  	[tilespmem:s18+$0xFFFFFE20] =	vst v6;
	v5 =	vld.idx.msk [tilespmem:v5+s3+$0x0], $0xffff  }
0xd5: {  	v6 =	vld [tilespmem:s21+$0xFFFFFE30];
	[tilespmem:s18+$0x120] =	vst v2  }
0xd6: {  	v2 =	vld [tilespmem:s21+$0xB0]  }
0xd7: {  	v8 =	vld [tilespmem:s21+$0x130]  }
0xd8: {  	v4 =	vld.idx.msk [tilespmem:v4+s3+$0x0], $0xffff  }
0xd9: {  	v1 =	vld.idx.msk [tilespmem:v1+s3+$0x0], $0xffff  }
0xda: {  	v3 =	vld.idx.msk [tilespmem:v3+s3+$0x0], $0xffff;
	[tilespmem:s18+$0x1B0] =	vst v5  }
0xdb: {  	v5 =	vld [tilespmem:s21+$0x1C0]  }
0xdc: {  	v7 =	vld.idx.msk [tilespmem:v7+s3+$0x0], $0xffff  }
0xdd: {  	v6 =	vld.idx.msk [tilespmem:v6+s3+$0x0], $0xffff  }
0xde: {  	[tilespmem:s18+$0xFFFFFEB0] =	vst v4;
	v2 =	vld.idx.msk [tilespmem:v2+s3+$0x0], $0xffff  }
0xdf: {  	[tilespmem:s18+$0xFFFFFF30] =	vst v1;
	v1 =	vld.idx.msk [tilespmem:v8+s3+$0x0], $0xffff  }
0xe0: {  	v4 =	vld [tilespmem:s21+$0xFFFFFEC0];
	[tilespmem:s18+$0xFFFFFFB0] =	vst v3  }
0xe1: {  	v3 =	vld [tilespmem:s21+$0xFFFFFF40]  }
0xe2: {  	v8 =	vld [tilespmem:s21+$0xFFFFFFC0];
	[tilespmem:s18+$0x30] =	vst v7  }
0xe3: {  	[tilespmem:s18+$0xFFFFFE30] =	vst v6;
	v5 =	vld.idx.msk [tilespmem:v5+s3+$0x0], $0xffff  }
0xe4: {  	v6 =	vld [tilespmem:s21+$0xFFFFFE40];
	[tilespmem:s18+$0xB0] =	vst v2  }
0xe5: {  	v2 =	vld [tilespmem:s21+$0x40];
	[tilespmem:s18+$0x130] =	vst v1  }
0xe6: {  	v1 =	vld [tilespmem:s21+$0xC0]  }
0xe7: {  	v7 =	vld [tilespmem:s21+$0x140]  }
0xe8: {  	v4 =	vld.idx.msk [tilespmem:v4+s3+$0x0], $0xffff  }
0xe9: {  	v3 =	vld.idx.msk [tilespmem:v3+s3+$0x0], $0xffff;
	[tilespmem:s18+$0x1C0] =	vst v5  }
0xea: {  	v5 =	vld [tilespmem:s21+$0x1D0]  }
0xeb: {  	v8 =	vld.idx.msk [tilespmem:v8+s3+$0x0], $0xffff  }
0xec: {  	v6 =	vld.idx.msk [tilespmem:v6+s3+$0x0], $0xffff  }
0xed: {  	v2 =	vld.idx.msk [tilespmem:v2+s3+$0x0], $0xffff  }
0xee: {  	[tilespmem:s18+$0xFFFFFEC0] =	vst v4;
	v1 =	vld.idx.msk [tilespmem:v1+s3+$0x0], $0xffff  }
0xef: {  	[tilespmem:s18+$0xFFFFFF40] =	vst v3;
	v3 =	vld.idx.msk [tilespmem:v7+s3+$0x0], $0xffff  }
0xf0: {  	v4 =	vld [tilespmem:s21+$0xFFFFFED0]  }
0xf1: {  	v7 =	vld [tilespmem:s21+$0xFFFFFF50];
	[tilespmem:s18+$0xFFFFFFC0] =	vst v8  }
0xf2: {  	[tilespmem:s18+$0xFFFFFE40] =	vst v6;
	v5 =	vld.idx.msk [tilespmem:v5+s3+$0x0], $0xffff  }
0xf3: {  	v6 =	vld [tilespmem:s21+$0xFFFFFE50];
	[tilespmem:s18+$0x40] =	vst v2  }
0xf4: {  	v2 =	vld [tilespmem:s21+$0xFFFFFFD0];
	[tilespmem:s18+$0xC0] =	vst v1  }
0xf5: {  	v1 =	vld [tilespmem:s21+$0x50];
	[tilespmem:s18+$0x140] =	vst v3  }
0xf6: {  	v3 =	vld [tilespmem:s21+$0xD0]  }
0xf7: {  	v8 =	vld [tilespmem:s21+$0x150]  }
0xf8: {  	v4 =	vld.idx.msk [tilespmem:v4+s3+$0x0], $0xffff;
	[tilespmem:s18+$0x1D0] =	vst v5  }
0xf9: {  	v5 =	vld [tilespmem:s21+$0x1E0]  }
0xfa: {  	v7 =	vld.idx.msk [tilespmem:v7+s3+$0x0], $0xffff  }
0xfb: {  	v6 =	vld.idx.msk [tilespmem:v6+s3+$0x0], $0xffff  }
0xfc: {  	v2 =	vld.idx.msk [tilespmem:v2+s3+$0x0], $0xffff  }
0xfd: {  	v1 =	vld.idx.msk [tilespmem:v1+s3+$0x0], $0xffff  }
0xfe: {  	[tilespmem:s18+$0xFFFFFED0] =	vst v4;
	v3 =	vld.idx.msk [tilespmem:v3+s3+$0x0], $0xffff  }
0xff: {  	v4 =	vld.idx.msk [tilespmem:v8+s3+$0x0], $0xffff  }
0x100: {  	v8 =	vld [tilespmem:s21+$0xFFFFFEE0];
	[tilespmem:s18+$0xFFFFFF50] =	vst v7  }
0x101: {  	[tilespmem:s18+$0xFFFFFE50] =	vst v6;
	v5 =	vld.idx.msk [tilespmem:v5+s3+$0x0], $0xffff  }
0x102: {  	v6 =	vld [tilespmem:s21+$0xFFFFFE60];
	[tilespmem:s18+$0xFFFFFFD0] =	vst v2  }
0x103: {  	v2 =	vld [tilespmem:s21+$0xFFFFFF60];
	[tilespmem:s18+$0x50] =	vst v1  }
0x104: {  	v1 =	vld [tilespmem:s21+$0xFFFFFFE0];
	[tilespmem:s18+$0xD0] =	vst v3  }
0x105: {  	v3 =	vld [tilespmem:s21+$0x60];
	[tilespmem:s18+$0x150] =	vst v4  }
0x106: {  	v4 =	vld [tilespmem:s21+$0xE0]  }
0x107: {  	v7 =	vld [tilespmem:s21+$0x160];
	[tilespmem:s18+$0x1E0] =	vst v5  }
0x108: {  	v5 =	vld [tilespmem:s21+$0x1F0]  }
0x109: {  	v8 =	vld.idx.msk [tilespmem:v8+s3+$0x0], $0xffff  }
0x10a: {  	v6 =	vld.idx.msk [tilespmem:v6+s3+$0x0], $0xffff  }
0x10b: {  	v2 =	vld.idx.msk [tilespmem:v2+s3+$0x0], $0xffff  }
0x10c: {  	v1 =	vld.idx.msk [tilespmem:v1+s3+$0x0], $0xffff  }
0x10d: {  	v3 =	vld.idx.msk [tilespmem:v3+s3+$0x0], $0xffff  }
0x10e: {  	v4 =	vld.idx.msk [tilespmem:v4+s3+$0x0], $0xffff  }
0x10f: {  	[tilespmem:s18+$0xFFFFFEE0] =	vst v8;
	v7 =	vld.idx.msk [tilespmem:v7+s3+$0x0], $0xffff  }
0x110: {  	[tilespmem:s18+$0xFFFFFE60] =	vst v6;
	v5 =	vld.idx.msk [tilespmem:v5+s3+$0x0], $0xffff  }
0x111: {  	v6 =	vld [tilespmem:s21+$0xFFFFFE70];
	[tilespmem:s18+$0xFFFFFF60] =	vst v2  }
0x112: {  	v2 =	vld [tilespmem:s21+$0xFFFFFEF0];
	[tilespmem:s18+$0xFFFFFFE0] =	vst v1  }
0x113: {  	v1 =	vld [tilespmem:s21+$0xFFFFFF70];
	[tilespmem:s18+$0x60] =	vst v3  }
0x114: {  	v3 =	vld [tilespmem:s21+$0xFFFFFFF0];
	[tilespmem:s18+$0xE0] =	vst v4  }
0x115: {  	v8 =	vld [tilespmem:s21+$0x70];
	[tilespmem:s18+$0x160] =	vst v7  }
0x116: {  	v7 =	vld [tilespmem:s21+$0xF0];
	[tilespmem:s18+$0x1F0] =	vst v5  }
0x117: {  	v9 =	vld [tilespmem:s21+$0x170]  }
0x118: {  	v10 =	vld.idx.msk [tilespmem:v0+s3+$0x0], $0xffff  }
0x119: {  	v6 =	vld.idx.msk [tilespmem:v6+s3+$0x0], $0xffff  }
.Ltmp0:
0x11a: {  	v5 =	vld.idx.msk [tilespmem:v2+s3+$0x0], $0xffff;
	(pc) =	sbr.rel @p1 .LBB2_3-.Ltmp0, $4  }
0x11b: {  	v4 =	vld.idx.msk [tilespmem:v1+s3+$0x0], $0xffff  }
0x11c: {  	v2 =	vld.idx.msk [tilespmem:v3+s3+$0x0], $0xffff;
	v0 =	vmov v9  }
0x11d: {  	v1 =	vld.idx.msk [tilespmem:v8+s3+$0x0], $0xffff  }
0x11e: {  	s21 =	sadd.s32 $0x400, s21;
	v3 =	vld.idx.msk [tilespmem:v7+s3+$0x0], $0xffff;
	[tilespmem:s19+$0x170] =	vst v10;
	s19 =	smov.u32 s18  }
0x11f: {  	_ =	sdelay $0x2  }
0x120: {  	[tilespmem:s18+$0xFFFFFE70] =	vst v6  }
0x121: {  	[tilespmem:s18+$0xFFFFFEF0] =	vst v5;
	v0 =	vld.idx.msk [tilespmem:v0+s3+$0x0], $0xffff  }
0x122: {  	[tilespmem:s18+$0xFFFFFF70] =	vst v4  }
0x123: {  	s16 =	smul.u32 $0x19000, s16;
	p1 =	sne.s32 s15, $0x4;
	[tilespmem:s18+$0xFFFFFFF0] =	vst v2  }
.Ltmp1:
0x124: {  	[tilespmem:s18+$0x70] =	vst v1;
	(pc) =	sbr.rel @p1 .LBB2_2-.Ltmp1, $4  }
0x125: {  	s14 =	sshll.u32 s14, $0x7;
	s16 =	sshrl.u32 s16, $0x2;
	[tilespmem:s18+$0xF0] =	vst v3  }
0x126: {  	s14 =	sadd.s32 s14, s5;
	s16 =	sadd.s32 $0xC880, s16;
	[tilespmem:s19+$0x170] =	vst v0  }
0x127: {  	[hbm4b:s14+s7] =	stream.strided.scatter [tilespmem:s16], [sflag:s17], $0x6400, s8, s7, $0x38;
	[tilespmem:$0x19080] =	vst v63  }
0x128: {  	p0 =	por !p0, !p0;
	s14 =	smov.u32 s15  }
0x129: {  	s13 =	sadd.s32 $0x1, s13  }
0x12a: {  	_ =	swait.ge [sflag:s11], $0x6400;
	p0 =	sne.s32 s13, s6  }
.Ltmp2:
0x12b: {  	[sflag:s11] =	ssyncset.done $0x0;
	(pc) =	sbr.rel @p0 .LBB2_1-.Ltmp2, $4  }
0x12c: {  	[sflag:s11] =	ssyncadd.s32 $0xFFFF9C00  }
0x12d: {  	_ =	swait.ge [sflag:s12], $0x6400  }
0x12e: {  	[sflag:s12] =	ssyncset.done $0x0  }
0x12f: {  	[sflag:s12] =	ssyncadd.s32 $0xFFFF9C00  }
0x130: {  	_ =	sfence.sel $0x180000  }
0x131: {  	[bflag:$0x0] =	sbarrier.arrive $0xFFFF  }
0x132: {  	p0 =	sne.s32 s2, $0x0;
	_ =	strace $0x90000047  }
0x133: {  	s0 =	sadd.s32 @!p0 $0x100000, s0;
	[bflag:$0x2] =	sbarrier.arrive $0xFFFF  }
0x134: {  	[sflag:s0] =	ssyncadd.tile.s32 @!p0 $0x1;
	_ =	shalt  }
.Lfunc_end2:
_tile_overlayer_lowered:
.L_overlay_start_2:
0x135: {  	(tag) =	ssettag $0x2  }
0x136: {  	s0 =	rddreg [dreg:$0x0];
	s2 =	stileid.u32  }
0x137: {  	s1 =	rddreg [dreg:$0x1];
	p0 =	sne.s32 s2, $0x0  }
0x138: {  	s3 =	rddreg [dreg:$0x2];
	[bflag:$0x3] =	sbarrier.arrive $0xFFFF;
	s2 =	simm.s32 @!p0 $0x1C05  }
0x139: {  	[timem:s3], [sflag:s2] =	dma.local @!p0 [hbm:s0], s1  }
0x13a: {  	s0 =	simm.s32 @!p0 $0x5  }
0x13b: {  	_ =	swait.ge @!p0 [sflag:s0], s1  }
0x13c: {  	s1 =	ssub.s32 @!p0 $0x0, s1;
	[sflag:s0] =	ssyncset.done @!p0 $0x0  }
0x13d: {  	[sflag:s0] =	ssyncadd.s32 @!p0 s1  }
0x13e: {  	[bflag:$0x3] =	sbarrier.arrive $0xFFFF  }
0x13f: {  	_ =	shalt  }

</sc_bundles>
